<compile_context>
chip_gen: v7x
topology: tpu7x:2x2x1
jax: 0.10.2.dev20260603
libtpu: 0.0.44.dev20260713+nightly
codegen_flags: <defaults>
</compile_context>

<pallas_src>
import jax
import jax.numpy as jnp
from jax.experimental import pallas as pl
from jax.experimental.pallas import tpu as pltpu
from jax.experimental.pallas import tpu_sc as plsc

B = 256
D = 2048
S = 49
C = 1000
NSTREAM = 7
NSTEP = 2 * S // NSTREAM
HALF = B // 2


def _argmax_body(lgt_ref, cls_ref, lgc_ref):
    lgt = lgt_ref[...]
    lgc_ref[...] = lgt
    row = jax.lax.broadcasted_iota(jnp.int32, (C, B), 0)
    col_max = jnp.max(lgt, axis=0, keepdims=True)
    cls_ref[...] = jnp.min(jnp.where(lgt == col_max, row, C), axis=0,
                           keepdims=True)


def _counts_sc_body(cls_ref, out_ref, idx_s, cnt_s, sem):
    @pl.when(jax.lax.axis_index("c") == 0)
    def _():
        pltpu.async_copy(cls_ref.at[0], idx_s, sem).wait()

        @pl.loop(0, C)
        def _zero(i):
            cnt_s[i] = 0.0

        @pl.loop(0, B)
        def _count(i):
            cnt_s[idx_s[i]] += 1.0

        pltpu.async_copy(cnt_s, out_ref, sem).wait()


def _mean_body(*refs):
    x_refs = refs[:NSTREAM]
    xm_ref, xc_ref = refs[NSTREAM:]
    i = pl.program_id(0)

    def _tree(ps):
        while len(ps) > 1:
            ps = [a + b for a, b in zip(ps[::2], ps[1::2])] + (
                ps[-1:] if len(ps) % 2 else [])
        return ps[0]

    a = _tree([r[0] for r in x_refs[0::2]])
    b = _tree([r[0] for r in x_refs[1::2]])

    for k, r in enumerate(x_refs):
        xc_ref[k] = r[0]

    even = i % 2 == 0

    @pl.when(i == 0)
    def _init():
        xm_ref[:HALF, :] = a
        xm_ref[HALF:, :] = b

    @pl.when((i > 0) & even)
    def _acc_even():
        xm_ref[:HALF, :] += a
        xm_ref[HALF:, :] += b

    @pl.when(jnp.logical_not(even))
    def _acc_odd():
        xm_ref[:HALF, :] += b
        xm_ref[HALF:, :] += a

    @pl.when(i == NSTEP - 1)
    def _scale():
        xm_ref[...] *= (1.0 / S)


def _merge_body(xm_ref, cls_ref, cnt_ref, pt_ref, out_ref):
    xm = xm_ref[...]
    row = jax.lax.broadcasted_iota(jnp.int32, (C, B), 0)
    onehot = (row == cls_ref[...]).astype(jnp.bfloat16)
    counts = cnt_ref[...]
    sums = jax.lax.dot_general(
        onehot, xm.astype(jnp.bfloat16),
        dimension_numbers=(((1,), (0,)), ((), ())),
        preferred_element_type=jnp.float32,
    )

    mean = sums / jnp.maximum(counts, 1.0)
    pt = pt_ref[...]
    dot = jnp.sum(pt * mean, axis=1, keepdims=True)
    denom = jnp.maximum(
        jnp.sqrt(jnp.sum(pt * pt, axis=1, keepdims=True))
        * jnp.sqrt(jnp.sum(mean * mean, axis=1, keepdims=True)),
        1e-8,
    )
    mom = dot / denom
    exist = counts > 0.0
    out_ref[...] = jnp.where(exist, pt * mom + mean * (1.0 - mom), pt)


def _x_spec(j):
    return pl.BlockSpec((1, HALF, D), lambda i, j=j: (NSTREAM * i + j, 0, 0))


@jax.jit
def _run(x, class_logits, prototypes):
    xt = jax.lax.transpose(x, (2, 3, 0, 1)).reshape(2 * S, HALF, D)
    lgt = jax.lax.transpose(class_logits, (1, 0))

    cls, lg_copy = pl.pallas_call(
        _argmax_body,
        out_shape=(
            jax.ShapeDtypeStruct((1, B), jnp.int32),
            jax.ShapeDtypeStruct((C, B), jnp.float32),
        ),
    )(lgt)
    lg_out = jax.lax.transpose(lg_copy, (1, 0))

    counts_kernel = pl.kernel(
        _counts_sc_body,
        out_type=jax.ShapeDtypeStruct((C,), jnp.float32),
        mesh=plsc.ScalarSubcoreMesh(axis_name="c", num_cores=2),
        scratch_types=[
            pltpu.SMEM((B,), jnp.int32),
            pltpu.SMEM((C,), jnp.float32),
            pltpu.SemaphoreType.DMA,
        ],
    )
    counts = counts_kernel(cls)

    x_mapped, x_copy = pl.pallas_call(
        _mean_body,
        grid=(NSTEP,),
        in_specs=[_x_spec(j) for j in range(NSTREAM)],
        out_specs=(
            pl.BlockSpec((B, D), lambda i: (0, 0)),
            pl.BlockSpec((NSTREAM, HALF, D), lambda i: (i, 0, 0)),
        ),
        out_shape=(
            jax.ShapeDtypeStruct((B, D), jnp.float32),
            jax.ShapeDtypeStruct((2 * S, HALF, D), jnp.float32),
        ),
    )(*([xt] * NSTREAM))
    x_out = jax.lax.transpose(x_copy.reshape(7, 7, B, D), (2, 3, 0, 1))

    new_prototypes = pl.pallas_call(
        _merge_body,
        out_shape=jax.ShapeDtypeStruct((C, D), jnp.float32),
    )(x_mapped, cls, counts.reshape(C, 1), prototypes)
    return new_prototypes, cls.reshape(B), x_mapped, x_out, lg_out


def kernel(x, class_logits, prototypes, step, thresholds):
    new_prototypes, max_cls, x_mapped, x_out, lg_out = _run(
        x, class_logits, prototypes)
    return (new_prototypes, step, x_out, lg_out, max_cls, x_mapped)

# --- scband reference (transcript-rebuilt; emitter-appended) ---
"""Pipeline reference for scband-information-prototype-23493471109706 (READ-ONLY COPY).

The authoritative reference and input builder live on the scoring server;
editing this copy changes nothing except your own understanding.
"""

import jax, jax.numpy as jnp
import numpy as np

NUM_CLASSES = 1000
FEAT_DIM = 2048
BATCH = 256


def setup_inputs(seed: int = 0) -> dict:
    key = jax.random.key(seed)
    k1, k2 = jax.random.split(key)
    x = jax.random.normal(k1, (BATCH, FEAT_DIM, 7, 7), dtype=jnp.float32)
    class_logits = jax.random.normal(k2, (BATCH, NUM_CLASSES), dtype=jnp.float32)
    prototypes = jnp.zeros((NUM_CLASSES, FEAT_DIM), dtype=jnp.float32)
    step = jnp.zeros((NUM_CLASSES,), dtype=jnp.int32)
    thresholds = jnp.full((NUM_CLASSES,), 0.1, dtype=jnp.float32)
    return {"x": x, "class_logits": class_logits, "prototypes": prototypes, "step": step, "thresholds": thresholds}


def reference(x, class_logits, prototypes, step, thresholds):
    C, D = prototypes.shape
    # class_logits_new = class_logits.clone().detach()
    class_logits_new = jax.lax.stop_gradient(class_logits)
    pred_normed = jax.nn.softmax(class_logits_new, axis=1)
    max_logit = jnp.max(pred_normed, axis=1)
    max_cls = jnp.argmax(pred_normed, axis=1)
    # AvgPool2d(kernel=7, stride=7) on a 7x7 map == mean over spatial dims; squeeze -> [B, D]
    x_mapped = jnp.mean(x, axis=(2, 3))
    x_new = jax.lax.stop_gradient(x_mapped)
    # 'cos' update branch (vectorized scatter-add form of the per-sample loop)
    local_ptyps = jax.ops.segment_sum(x_new, max_cls, num_segments=C)
    counts = jax.ops.segment_sum(jnp.ones((x_new.shape[0],), dtype=jnp.float32), max_cls, num_segments=C)
    exist = counts > 0
    local_mean = jnp.where(exist[:, None], local_ptyps / jnp.maximum(counts, 1.0)[:, None], local_ptyps)
    # torch.cosine_similarity with eps=1e-8
    dot = jnp.sum(prototypes * local_mean, axis=1)
    denom = jnp.maximum(jnp.linalg.norm(prototypes, axis=1) * jnp.linalg.norm(local_mean, axis=1), 1e-8)
    momentum = dot / denom
    new_prototypes = jnp.where(exist[:, None], prototypes * momentum[:, None] + local_mean * (1.0 - momentum[:, None]), prototypes)
    return (new_prototypes, step, x, class_logits, max_cls, x_mapped)

if __name__ == "__main__":
    import jax
    _d = setup_inputs()
    print(jax.jit(kernel)(*tuple(_d.values())))

</pallas_src>

<mosaic_0001>
#map = affine_map<(d0) -> (0, 0)>
#map1 = affine_map<(d0) -> (0)>
module attributes {stable_mosaic.version = 14 : i64} {
  func.func @_counts_sc_body(%arg0: i32, %arg1: memref<1x256xi32, #tpu.memory_space<hbm>>, %arg2: memref<1000xf32, #tpu.memory_space<hbm>>, %arg3: memref<256xi32, #tpu.memory_space<smem>>, %arg4: memref<1000xf32, #tpu.memory_space<smem>>, %arg5: memref<!tpu.dma_semaphore, #tpu.memory_space<semaphore_mem>>) attributes {dimension_semantics = [#tpu.dimension_semantics<core_parallel>], iteration_bounds = array<i64: 2>, scalar_prefetch = 0 : i64, scratch_operands = 3 : i64, tpu.core_type = #tpu.core_type<sc_scalar_subcore>, window_params = [{transform_indices = #map}, {transform_indices = #map1}]} {
    %eq3A = arith.constant 0 : i32
    %eq3A_0 = arith.cmpi eq, %arg0, %eq3A : i32
    %convert_element_type3A = arith.extui %eq3A_0 : i1 to i32
    %cond3A = arith.constant 0 : i32
    %cond3A_1 = arith.cmpi ne, %convert_element_type3A, %cond3A : i32
    scf.if %cond3A_1 {
      %dma_start3A = arith.constant 0 : i32
      %dma_start3A_2 = arith.constant 0 : i32
      %dma_start3A_3 = tpu.memref_slice %arg1[%dma_start3A, %dma_start3A_2] : memref<1x256xi32, #tpu.memory_space<hbm>> -> memref<1x256xi32, #tpu.memory_space<hbm>>
      %dma_start3A_4 = tpu.memref_squeeze %dma_start3A_3 : memref<1x256xi32, #tpu.memory_space<hbm>> -> memref<256xi32, #tpu.memory_space<hbm>>
      tpu.enqueue_dma source(%dma_start3A_4 : memref<256xi32, #tpu.memory_space<hbm>>) target(%arg3 : memref<256xi32, #tpu.memory_space<smem>>) target_semaphore(%arg5 : memref<!tpu.dma_semaphore, #tpu.memory_space<semaphore_mem>>)
      %dma_wait3A = arith.constant 0 : i32
      %dma_wait3A_5 = arith.constant 0 : i32
      %dma_wait3A_6 = tpu.memref_slice %arg1[%dma_wait3A, %dma_wait3A_5] : memref<1x256xi32, #tpu.memory_space<hbm>> -> memref<1x256xi32, #tpu.memory_space<hbm>>
      %dma_wait3A_7 = tpu.memref_squeeze %dma_wait3A_6 : memref<1x256xi32, #tpu.memory_space<hbm>> -> memref<256xi32, #tpu.memory_space<hbm>>
      tpu.wait_dma2 semaphore(%arg5 : memref<!tpu.dma_semaphore, #tpu.memory_space<semaphore_mem>>) src(%dma_wait3A_7 : memref<256xi32, #tpu.memory_space<hbm>>) dst(%arg3 : memref<256xi32, #tpu.memory_space<smem>>)
      %scan3A = arith.constant 0 : i32
      %scan3A_8 = arith.constant 1000 : i32
      %scan3A_9 = arith.addi %scan3A, %scan3A_8 : i32
      %scan3A_10 = arith.constant 1 : i32
      scf.for %scan3A_17 = %scan3A to %scan3A_9 step %scan3A_10  : i32 {
        %mul3A = arith.constant 1 : i32
        %mul3A_18 = arith.muli %scan3A_17, %mul3A : i32
        %add3A = arith.constant 0 : i32
        %add3A_19 = arith.addi %add3A, %mul3A_18 : i32
        %swap3A = arith.constant 0.000000e+00 : f32
        %swap3A_20 = arith.index_cast %add3A_19 : i32 to index
        %swap3A_21 = memref.load %arg4[%swap3A_20] : memref<1000xf32, #tpu.memory_space<smem>>
        memref.store %swap3A, %arg4[%swap3A_20] : memref<1000xf32, #tpu.memory_space<smem>>
      }
      %scan3A_11 = arith.constant 1000 : i32
      %scan3A_12 = arith.constant 0 : i32
      %scan3A_13 = arith.constant 256 : i32
      %scan3A_14 = arith.addi %scan3A_12, %scan3A_13 : i32
      %scan3A_15 = arith.constant 1 : i32
      scf.for %scan3A_17 = %scan3A_12 to %scan3A_14 step %scan3A_15  : i32 {
        %mul3A = arith.constant 1 : i32
        %mul3A_18 = arith.muli %scan3A_17, %mul3A : i32
        %add3A = arith.constant 0 : i32
        %add3A_19 = arith.addi %add3A, %mul3A_18 : i32
        %get3A = arith.index_cast %add3A_19 : i32 to index
        %get3A_20 = memref.load %arg3[%get3A] : memref<256xi32, #tpu.memory_space<smem>>
        %get3A_21 = arith.index_cast %get3A_20 : i32 to index
        %get3A_22 = memref.load %arg4[%get3A_21] : memref<1000xf32, #tpu.memory_space<smem>>
        %add3A_23 = arith.constant 1.000000e+00 : f32
        %add3A_24 = arith.addf %get3A_22, %add3A_23 : f32
        %swap3A = arith.index_cast %get3A_20 : i32 to index
        %swap3A_25 = memref.load %arg4[%swap3A] : memref<1000xf32, #tpu.memory_space<smem>>
        memref.store %add3A_24, %arg4[%swap3A] : memref<1000xf32, #tpu.memory_space<smem>>
      }
      %scan3A_16 = arith.constant 256 : i32
      tpu.enqueue_dma source(%arg4 : memref<1000xf32, #tpu.memory_space<smem>>) target(%arg2 : memref<1000xf32, #tpu.memory_space<hbm>>) target_semaphore(%arg5 : memref<!tpu.dma_semaphore, #tpu.memory_space<semaphore_mem>>)
      tpu.wait_dma2 semaphore(%arg5 : memref<!tpu.dma_semaphore, #tpu.memory_space<semaphore_mem>>) src(%arg4 : memref<1000xf32, #tpu.memory_space<smem>>) dst(%arg2 : memref<1000xf32, #tpu.memory_space<hbm>>)
    } else {
    }
    return
  }
}

module attributes {stable_mosaic.version = 14 : i64} {
  func.func @_argmax_body(%arg0: memref<1000x256xf32, #tpu.memory_space<vmem>>, %arg1: memref<1x256xi32, #tpu.memory_space<vmem>>, %arg2: memref<1000x256xf32, #tpu.memory_space<vmem>>) attributes {dimension_semantics = [], scalar_prefetch = 0 : i64, scratch_operands = 0 : i64, tpu.core_type = #tpu.core_type<tc>} {
    %get3A = arith.constant 0 : index
    %get3A_0 = arith.constant 0 : index
    %get3A_1 = vector.load %arg0[%get3A, %get3A_0] : memref<1000x256xf32, #tpu.memory_space<vmem>>, vector<1000x256xf32>
    %swap3A = arith.constant 0 : index
    %swap3A_2 = arith.constant 0 : index
    %swap3A_3 = vector.load %arg2[%swap3A, %swap3A_2] : memref<1000x256xf32, #tpu.memory_space<vmem>>, vector<1000x256xf32>
    tpu.vector_store %arg2[%swap3A, %swap3A_2], %get3A_1 {strides = array<i32>} : memref<1000x256xf32, #tpu.memory_space<vmem>>, vector<1000x256xf32>,
    %iota3A = tpu.iota {dimensions = array<i32: 0>} : vector<1000x256xi32>
    %reduce_max3A = arith.constant dense<0xFF800000> : vector<256xf32>
    %reduce_max3A_4 = vector.multi_reduction <maximumf>, %get3A_1, %reduce_max3A [0] : vector<1000x256xf32> to vector<256xf32>
    %broadcast_in_dim3A = vector.shape_cast %reduce_max3A_4 : vector<256xf32> to vector<1x256xf32>
    %eq3A = vector.broadcast %broadcast_in_dim3A : vector<1x256xf32> to vector<1000x256xf32>
    %eq3A_5 = arith.cmpf oeq, %get3A_1, %eq3A : vector<1000x256xf32>
    %jit3A = arith.constant 1000 : i32
    %broadcast_in_dim3A_6 = vector.broadcast %jit3A : i32 to vector<1000x256xi32>
    %select_n3A = arith.select %eq3A_5, %iota3A, %broadcast_in_dim3A_6 : vector<1000x256xi1>, vector<1000x256xi32>
    %reduce_min3A = arith.constant dense<2147483647> : vector<256xi32>
    %reduce_min3A_7 = vector.multi_reduction <minsi>, %select_n3A, %reduce_min3A [0] : vector<1000x256xi32> to vector<256xi32>
    %broadcast_in_dim3A_8 = vector.shape_cast %reduce_min3A_7 : vector<256xi32> to vector<1x256xi32>
    %swap3A_9 = arith.constant 0 : index
    %swap3A_10 = arith.constant 0 : index
    %swap3A_11 = vector.load %arg1[%swap3A_9, %swap3A_10] : memref<1x256xi32, #tpu.memory_space<vmem>>, vector<1x256xi32>
    tpu.vector_store %arg1[%swap3A_9, %swap3A_10], %broadcast_in_dim3A_8 {strides = array<i32>} : memref<1x256xi32, #tpu.memory_space<vmem>>, vector<1x256xi32>,
    return
  }
}

module attributes {stable_mosaic.version = 14 : i64} {
  func.func @_merge_body(%arg0: memref<256x2048xf32, #tpu.memory_space<vmem>>, %arg1: memref<1x256xi32, #tpu.memory_space<vmem>>, %arg2: memref<1000x1xf32, #tpu.memory_space<vmem>>, %arg3: memref<1000x2048xf32, #tpu.memory_space<vmem>>, %arg4: memref<1000x2048xf32, #tpu.memory_space<vmem>>) attributes {dimension_semantics = [], scalar_prefetch = 0 : i64, scratch_operands = 0 : i64, tpu.core_type = #tpu.core_type<tc>} {
    %get3A = arith.constant 0 : index
    %get3A_0 = arith.constant 0 : index
    %get3A_1 = vector.load %arg0[%get3A, %get3A_0] : memref<256x2048xf32, #tpu.memory_space<vmem>>, vector<256x2048xf32>
    %iota3A = tpu.iota {dimensions = array<i32: 0>} : vector<1000x256xi32>
    %get3A_2 = arith.constant 0 : index
    %get3A_3 = arith.constant 0 : index
    %get3A_4 = vector.load %arg1[%get3A_2, %get3A_3] : memref<1x256xi32, #tpu.memory_space<vmem>>, vector<1x256xi32>
    %eq3A = vector.broadcast %get3A_4 : vector<1x256xi32> to vector<1000x256xi32>
    %eq3A_5 = arith.cmpi eq, %iota3A, %eq3A : vector<1000x256xi32>
    %convert_element_type3A = arith.extui %eq3A_5 : vector<1000x256xi1> to vector<1000x256xi32>
    %convert_element_type3A_6 = arith.sitofp %convert_element_type3A : vector<1000x256xi32> to vector<1000x256xf32>
    %convert_element_type3A_7 = arith.truncf %convert_element_type3A_6 : vector<1000x256xf32> to vector<1000x256xbf16>
    %get3A_8 = arith.constant 0 : index
    %get3A_9 = arith.constant 0 : index
    %get3A_10 = vector.load %arg2[%get3A_8, %get3A_9] : memref<1000x1xf32, #tpu.memory_space<vmem>>, vector<1000x1xf32>
    %convert_element_type3A_11 = arith.truncf %get3A_1 : vector<256x2048xf32> to vector<256x2048xbf16>
    %dot_general3A = arith.constant dense<0.000000e+00> : vector<1000x2048xf32>
    %dot_general3A_12 = tpu.matmul %convert_element_type3A_7, %convert_element_type3A_11, %dot_general3A {dimension_numbers = #tpu.dot_dimension_numbers<[1], [0], [0], [1], [0, 0, 1, 1], [], []>, transpose_lhs_hint = false} : vector<1000x256xbf16>, vector<256x2048xbf16>, vector<1000x2048xf32> -> vector<1000x2048xf32>
    %max3A = arith.constant 1.000000e+00 : f32
    %max3A_13 = vector.broadcast %max3A : f32 to vector<1000x1xf32>
    %max3A_14 = arith.maximumf %get3A_10, %max3A_13 : vector<1000x1xf32>
    %div3A = vector.broadcast %max3A_14 : vector<1000x1xf32> to vector<1000x2048xf32>
    %div3A_15 = arith.divf %dot_general3A_12, %div3A : vector<1000x2048xf32>
    %get3A_16 = arith.constant 0 : index
    %get3A_17 = arith.constant 0 : index
    %get3A_18 = vector.load %arg3[%get3A_16, %get3A_17] : memref<1000x2048xf32, #tpu.memory_space<vmem>>, vector<1000x2048xf32>
    %mul3A = arith.mulf %get3A_18, %div3A_15 : vector<1000x2048xf32>
    %reduce_sum3A = arith.constant dense<0.000000e+00> : vector<1000xf32>
    %reduce_sum3A_19 = vector.multi_reduction <add>, %mul3A, %reduce_sum3A [1] : vector<1000x2048xf32> to vector<1000xf32>
    %broadcast_in_dim3A = vector.shape_cast %reduce_sum3A_19 : vector<1000xf32> to vector<1000x1xf32>
    %mul3A_20 = arith.mulf %get3A_18, %get3A_18 : vector<1000x2048xf32>
    %reduce_sum3A_21 = arith.constant dense<0.000000e+00> : vector<1000xf32>
    %reduce_sum3A_22 = vector.multi_reduction <add>, %mul3A_20, %reduce_sum3A_21 [1] : vector<1000x2048xf32> to vector<1000xf32>
    %broadcast_in_dim3A_23 = vector.shape_cast %reduce_sum3A_22 : vector<1000xf32> to vector<1000x1xf32>
    %sqrt3A = math.sqrt %broadcast_in_dim3A_23 : vector<1000x1xf32>
    %mul3A_24 = arith.mulf %div3A_15, %div3A_15 : vector<1000x2048xf32>
    %reduce_sum3A_25 = arith.constant dense<0.000000e+00> : vector<1000xf32>
    %reduce_sum3A_26 = vector.multi_reduction <add>, %mul3A_24, %reduce_sum3A_25 [1] : vector<1000x2048xf32> to vector<1000xf32>
    %broadcast_in_dim3A_27 = vector.shape_cast %reduce_sum3A_26 : vector<1000xf32> to vector<1000x1xf32>
    %sqrt3A_28 = math.sqrt %broadcast_in_dim3A_27 : vector<1000x1xf32>
    %mul3A_29 = arith.mulf %sqrt3A, %sqrt3A_28 : vector<1000x1xf32>
    %max3A_30 = arith.constant 9.99999993E-9 : f32
    %max3A_31 = vector.broadcast %max3A_30 : f32 to vector<1000x1xf32>
    %max3A_32 = arith.maximumf %mul3A_29, %max3A_31 : vector<1000x1xf32>
    %div3A_33 = arith.divf %broadcast_in_dim3A, %max3A_32 : vector<1000x1xf32>
    %gt3A = arith.constant 0.000000e+00 : f32
    %gt3A_34 = vector.broadcast %gt3A : f32 to vector<1000x1xf32>
    %gt3A_35 = arith.cmpf ogt, %get3A_10, %gt3A_34 : vector<1000x1xf32>
    %mul3A_36 = vector.broadcast %div3A_33 : vector<1000x1xf32> to vector<1000x2048xf32>
    %mul3A_37 = arith.mulf %get3A_18, %mul3A_36 : vector<1000x2048xf32>
    %sub3A = arith.constant 1.000000e+00 : f32
    %sub3A_38 = vector.broadcast %sub3A : f32 to vector<1000x1xf32>
    %sub3A_39 = arith.subf %sub3A_38, %div3A_33 : vector<1000x1xf32>
    %mul3A_40 = vector.broadcast %sub3A_39 : vector<1000x1xf32> to vector<1000x2048xf32>
    %mul3A_41 = arith.mulf %div3A_15, %mul3A_40 : vector<1000x2048xf32>
    %add3A = arith.addf %mul3A_37, %mul3A_41 : vector<1000x2048xf32>
    %broadcast_in_dim3A_42 = vector.shape_cast %gt3A_35 : vector<1000x1xi1> to vector<1000x1xi1>
    %broadcast_in_dim3A_43 = vector.broadcast %broadcast_in_dim3A_42 : vector<1000x1xi1> to vector<1000x2048xi1>
    %select_n3A = arith.select %broadcast_in_dim3A_43, %add3A, %get3A_18 : vector<1000x2048xi1>, vector<1000x2048xf32>
    %swap3A = arith.constant 0 : index
    %swap3A_44 = arith.constant 0 : index
    %swap3A_45 = vector.load %arg4[%swap3A, %swap3A_44] : memref<1000x2048xf32, #tpu.memory_space<vmem>>, vector<1000x2048xf32>
    tpu.vector_store %arg4[%swap3A, %swap3A_44], %select_n3A {strides = array<i32>} : memref<1000x2048xf32, #tpu.memory_space<vmem>>, vector<1000x2048xf32>,
    return
  }
}

module attributes {stable_mosaic.version = 14 : i64} {
  func.func @_mean_body(%arg0: i32, %arg1: memref<1x128x2048xf32, #tpu.memory_space<vmem>>, %arg2: memref<1x128x2048xf32, #tpu.memory_space<vmem>>, %arg3: memref<1x128x2048xf32, #tpu.memory_space<vmem>>, %arg4: memref<1x128x2048xf32, #tpu.memory_space<vmem>>, %arg5: memref<1x128x2048xf32, #tpu.memory_space<vmem>>, %arg6: memref<1x128x2048xf32, #tpu.memory_space<vmem>>, %arg7: memref<1x128x2048xf32, #tpu.memory_space<vmem>>, %arg8: memref<256x2048xf32, #tpu.memory_space<vmem>>, %arg9: memref<7x128x2048xf32, #tpu.memory_space<vmem>>) attributes {dimension_semantics = [#tpu.dimension_semantics<arbitrary>], iteration_bounds = array<i64: 14>, scalar_prefetch = 0 : i64, scratch_operands = 0 : i64, tpu.core_type = #tpu.core_type<tc>, window_params = [{transform_indices = @transform_0, window_bounds = array<i64: 1, 128, 2048>}, {transform_indices = @transform_1, window_bounds = array<i64: 1, 128, 2048>}, {transform_indices = @transform_2, window_bounds = array<i64: 1, 128, 2048>}, {transform_indices = @transform_3, window_bounds = array<i64: 1, 128, 2048>}, {transform_indices = @transform_4, window_bounds = array<i64: 1, 128, 2048>}, {transform_indices = @transform_5, window_bounds = array<i64: 1, 128, 2048>}, {transform_indices = @transform_6, window_bounds = array<i64: 1, 128, 2048>}, {pipeline_mode = #tpu.pipeline_mode<synchronous>, transform_indices = @transform_7, window_bounds = array<i64: 256, 2048>}, {transform_indices = @transform_8, window_bounds = array<i64: 7, 128, 2048>}]} {
    %get3A = arith.constant 0 : index
    %get3A_0 = arith.constant 0 : index
    %get3A_1 = arith.constant 0 : index
    %get3A_2 = vector.load %arg1[%get3A, %get3A_0, %get3A_1] : memref<1x128x2048xf32, #tpu.memory_space<vmem>>, vector<1x128x2048xf32>
    %get3A_3 = vector.shape_cast %get3A_2 : vector<1x128x2048xf32> to vector<128x2048xf32>
    %get3A_4 = arith.constant 0 : index
    %get3A_5 = arith.constant 0 : index
    %get3A_6 = arith.constant 0 : index
    %get3A_7 = vector.load %arg3[%get3A_4, %get3A_5, %get3A_6] : memref<1x128x2048xf32, #tpu.memory_space<vmem>>, vector<1x128x2048xf32>
    %get3A_8 = vector.shape_cast %get3A_7 : vector<1x128x2048xf32> to vector<128x2048xf32>
    %get3A_9 = arith.constant 0 : index
    %get3A_10 = arith.constant 0 : index
    %get3A_11 = arith.constant 0 : index
    %get3A_12 = vector.load %arg5[%get3A_9, %get3A_10, %get3A_11] : memref<1x128x2048xf32, #tpu.memory_space<vmem>>, vector<1x128x2048xf32>
    %get3A_13 = vector.shape_cast %get3A_12 : vector<1x128x2048xf32> to vector<128x2048xf32>
    %get3A_14 = arith.constant 0 : index
    %get3A_15 = arith.constant 0 : index
    %get3A_16 = arith.constant 0 : index
    %get3A_17 = vector.load %arg7[%get3A_14, %get3A_15, %get3A_16] : memref<1x128x2048xf32, #tpu.memory_space<vmem>>, vector<1x128x2048xf32>
    %get3A_18 = vector.shape_cast %get3A_17 : vector<1x128x2048xf32> to vector<128x2048xf32>
    %add3A = arith.addf %get3A_3, %get3A_8 : vector<128x2048xf32>
    %add3A_19 = arith.addf %get3A_13, %get3A_18 : vector<128x2048xf32>
    %add3A_20 = arith.addf %add3A, %add3A_19 : vector<128x2048xf32>
    %get3A_21 = arith.constant 0 : index
    %get3A_22 = arith.constant 0 : index
    %get3A_23 = arith.constant 0 : index
    %get3A_24 = vector.load %arg2[%get3A_21, %get3A_22, %get3A_23] : memref<1x128x2048xf32, #tpu.memory_space<vmem>>, vector<1x128x2048xf32>
    %get3A_25 = vector.shape_cast %get3A_24 : vector<1x128x2048xf32> to vector<128x2048xf32>
    %get3A_26 = arith.constant 0 : index
    %get3A_27 = arith.constant 0 : index
    %get3A_28 = arith.constant 0 : index
    %get3A_29 = vector.load %arg4[%get3A_26, %get3A_27, %get3A_28] : memref<1x128x2048xf32, #tpu.memory_space<vmem>>, vector<1x128x2048xf32>
    %get3A_30 = vector.shape_cast %get3A_29 : vector<1x128x2048xf32> to vector<128x2048xf32>
    %get3A_31 = arith.constant 0 : index
    %get3A_32 = arith.constant 0 : index
    %get3A_33 = arith.constant 0 : index
    %get3A_34 = vector.load %arg6[%get3A_31, %get3A_32, %get3A_33] : memref<1x128x2048xf32, #tpu.memory_space<vmem>>, vector<1x128x2048xf32>
    %get3A_35 = vector.shape_cast %get3A_34 : vector<1x128x2048xf32> to vector<128x2048xf32>
    %add3A_36 = arith.addf %get3A_25, %get3A_30 : vector<128x2048xf32>
    %add3A_37 = arith.addf %add3A_36, %get3A_35 : vector<128x2048xf32>
    %get3A_38 = arith.constant 0 : index
    %get3A_39 = arith.constant 0 : index
    %get3A_40 = arith.constant 0 : index
    %get3A_41 = vector.load %arg1[%get3A_38, %get3A_39, %get3A_40] : memref<1x128x2048xf32, #tpu.memory_space<vmem>>, vector<1x128x2048xf32>
    %get3A_42 = vector.shape_cast %get3A_41 : vector<1x128x2048xf32> to vector<128x2048xf32>
    %swap3A = arith.constant 0 : index
    %swap3A_43 = arith.constant 0 : index
    %swap3A_44 = arith.constant 0 : index
    %swap3A_45 = vector.load %arg9[%swap3A, %swap3A_43, %swap3A_44] : memref<7x128x2048xf32, #tpu.memory_space<vmem>>, vector<1x128x2048xf32>
    %swap3A_46 = vector.shape_cast %swap3A_45 : vector<1x128x2048xf32> to vector<128x2048xf32>
    %swap3A_47 = vector.shape_cast %get3A_42 : vector<128x2048xf32> to vector<1x128x2048xf32>
    tpu.vector_store %arg9[%swap3A, %swap3A_43, %swap3A_44], %swap3A_47 {strides = array<i32>} : memref<7x128x2048xf32, #tpu.memory_space<vmem>>, vector<1x128x2048xf32>,
    %get3A_48 = arith.constant 0 : index
    %get3A_49 = arith.constant 0 : index
    %get3A_50 = arith.constant 0 : index
    %get3A_51 = vector.load %arg2[%get3A_48, %get3A_49, %get3A_50] : memref<1x128x2048xf32, #tpu.memory_space<vmem>>, vector<1x128x2048xf32>
    %get3A_52 = vector.shape_cast %get3A_51 : vector<1x128x2048xf32> to vector<128x2048xf32>
    %swap3A_53 = arith.constant 1 : index
    %swap3A_54 = arith.constant 0 : index
    %swap3A_55 = arith.constant 0 : index
    %swap3A_56 = vector.load %arg9[%swap3A_53, %swap3A_54, %swap3A_55] : memref<7x128x2048xf32, #tpu.memory_space<vmem>>, vector<1x128x2048xf32>
    %swap3A_57 = vector.shape_cast %swap3A_56 : vector<1x128x2048xf32> to vector<128x2048xf32>
    %swap3A_58 = vector.shape_cast %get3A_52 : vector<128x2048xf32> to vector<1x128x2048xf32>
    tpu.vector_store %arg9[%swap3A_53, %swap3A_54, %swap3A_55], %swap3A_58 {strides = array<i32>} : memref<7x128x2048xf32, #tpu.memory_space<vmem>>, vector<1x128x2048xf32>,
    %get3A_59 = arith.constant 0 : index
    %get3A_60 = arith.constant 0 : index
    %get3A_61 = arith.constant 0 : index
    %get3A_62 = vector.load %arg3[%get3A_59, %get3A_60, %get3A_61] : memref<1x128x2048xf32, #tpu.memory_space<vmem>>, vector<1x128x2048xf32>
    %get3A_63 = vector.shape_cast %get3A_62 : vector<1x128x2048xf32> to vector<128x2048xf32>
    %swap3A_64 = arith.constant 2 : index
    %swap3A_65 = arith.constant 0 : index
    %swap3A_66 = arith.constant 0 : index
    %swap3A_67 = vector.load %arg9[%swap3A_64, %swap3A_65, %swap3A_66] : memref<7x128x2048xf32, #tpu.memory_space<vmem>>, vector<1x128x2048xf32>
    %swap3A_68 = vector.shape_cast %swap3A_67 : vector<1x128x2048xf32> to vector<128x2048xf32>
    %swap3A_69 = vector.shape_cast %get3A_63 : vector<128x2048xf32> to vector<1x128x2048xf32>
    tpu.vector_store %arg9[%swap3A_64, %swap3A_65, %swap3A_66], %swap3A_69 {strides = array<i32>} : memref<7x128x2048xf32, #tpu.memory_space<vmem>>, vector<1x128x2048xf32>,
    %get3A_70 = arith.constant 0 : index
    %get3A_71 = arith.constant 0 : index
    %get3A_72 = arith.constant 0 : index
    %get3A_73 = vector.load %arg4[%get3A_70, %get3A_71, %get3A_72] : memref<1x128x2048xf32, #tpu.memory_space<vmem>>, vector<1x128x2048xf32>
    %get3A_74 = vector.shape_cast %get3A_73 : vector<1x128x2048xf32> to vector<128x2048xf32>
    %swap3A_75 = arith.constant 3 : index
    %swap3A_76 = arith.constant 0 : index
    %swap3A_77 = arith.constant 0 : index
    %swap3A_78 = vector.load %arg9[%swap3A_75, %swap3A_76, %swap3A_77] : memref<7x128x2048xf32, #tpu.memory_space<vmem>>, vector<1x128x2048xf32>
    %swap3A_79 = vector.shape_cast %swap3A_78 : vector<1x128x2048xf32> to vector<128x2048xf32>
    %swap3A_80 = vector.shape_cast %get3A_74 : vector<128x2048xf32> to vector<1x128x2048xf32>
    tpu.vector_store %arg9[%swap3A_75, %swap3A_76, %swap3A_77], %swap3A_80 {strides = array<i32>} : memref<7x128x2048xf32, #tpu.memory_space<vmem>>, vector<1x128x2048xf32>,
    %get3A_81 = arith.constant 0 : index
    %get3A_82 = arith.constant 0 : index
    %get3A_83 = arith.constant 0 : index
    %get3A_84 = vector.load %arg5[%get3A_81, %get3A_82, %get3A_83] : memref<1x128x2048xf32, #tpu.memory_space<vmem>>, vector<1x128x2048xf32>
    %get3A_85 = vector.shape_cast %get3A_84 : vector<1x128x2048xf32> to vector<128x2048xf32>
    %swap3A_86 = arith.constant 4 : index
    %swap3A_87 = arith.constant 0 : index
    %swap3A_88 = arith.constant 0 : index
    %swap3A_89 = vector.load %arg9[%swap3A_86, %swap3A_87, %swap3A_88] : memref<7x128x2048xf32, #tpu.memory_space<vmem>>, vector<1x128x2048xf32>
    %swap3A_90 = vector.shape_cast %swap3A_89 : vector<1x128x2048xf32> to vector<128x2048xf32>
    %swap3A_91 = vector.shape_cast %get3A_85 : vector<128x2048xf32> to vector<1x128x2048xf32>
    tpu.vector_store %arg9[%swap3A_86, %swap3A_87, %swap3A_88], %swap3A_91 {strides = array<i32>} : memref<7x128x2048xf32, #tpu.memory_space<vmem>>, vector<1x128x2048xf32>,
    %get3A_92 = arith.constant 0 : index
    %get3A_93 = arith.constant 0 : index
    %get3A_94 = arith.constant 0 : index
    %get3A_95 = vector.load %arg6[%get3A_92, %get3A_93, %get3A_94] : memref<1x128x2048xf32, #tpu.memory_space<vmem>>, vector<1x128x2048xf32>
    %get3A_96 = vector.shape_cast %get3A_95 : vector<1x128x2048xf32> to vector<128x2048xf32>
    %swap3A_97 = arith.constant 5 : index
    %swap3A_98 = arith.constant 0 : index
    %swap3A_99 = arith.constant 0 : index
    %swap3A_100 = vector.load %arg9[%swap3A_97, %swap3A_98, %swap3A_99] : memref<7x128x2048xf32, #tpu.memory_space<vmem>>, vector<1x128x2048xf32>
    %swap3A_101 = vector.shape_cast %swap3A_100 : vector<1x128x2048xf32> to vector<128x2048xf32>
    %swap3A_102 = vector.shape_cast %get3A_96 : vector<128x2048xf32> to vector<1x128x2048xf32>
    tpu.vector_store %arg9[%swap3A_97, %swap3A_98, %swap3A_99], %swap3A_102 {strides = array<i32>} : memref<7x128x2048xf32, #tpu.memory_space<vmem>>, vector<1x128x2048xf32>,
    %get3A_103 = arith.constant 0 : index
    %get3A_104 = arith.constant 0 : index
    %get3A_105 = arith.constant 0 : index
    %get3A_106 = vector.load %arg7[%get3A_103, %get3A_104, %get3A_105] : memref<1x128x2048xf32, #tpu.memory_space<vmem>>, vector<1x128x2048xf32>
    %get3A_107 = vector.shape_cast %get3A_106 : vector<1x128x2048xf32> to vector<128x2048xf32>
    %swap3A_108 = arith.constant 6 : index
    %swap3A_109 = arith.constant 0 : index
    %swap3A_110 = arith.constant 0 : index
    %swap3A_111 = vector.load %arg9[%swap3A_108, %swap3A_109, %swap3A_110] : memref<7x128x2048xf32, #tpu.memory_space<vmem>>, vector<1x128x2048xf32>
    %swap3A_112 = vector.shape_cast %swap3A_111 : vector<1x128x2048xf32> to vector<128x2048xf32>
    %swap3A_113 = vector.shape_cast %get3A_107 : vector<128x2048xf32> to vector<1x128x2048xf32>
    tpu.vector_store %arg9[%swap3A_108, %swap3A_109, %swap3A_110], %swap3A_113 {strides = array<i32>} : memref<7x128x2048xf32, #tpu.memory_space<vmem>>, vector<1x128x2048xf32>,
    %jit3A = arith.constant 2 : i32
    %eq3A = arith.constant 0 : i32
    %eq3A_114 = arith.cmpi eq, %jit3A, %eq3A : i32
    %jit3A_115 = arith.constant 1 : i32
    %select_n3A = arith.select %eq3A_114, %jit3A_115, %jit3A : i32
    %rem3A = arith.remsi %arg0, %select_n3A : i32
    %ne3A = arith.constant 0 : i32
    %ne3A_116 = arith.cmpi ne, %rem3A, %ne3A : i32
    %lt3A = arith.constant 0 : i32
    %lt3A_117 = arith.cmpi slt, %rem3A, %lt3A : i32
    %lt3A_118 = arith.constant 0 : i32
    %lt3A_119 = arith.cmpi slt, %select_n3A, %lt3A_118 : i32
    %ne3A_120 = arith.xori %lt3A_117, %lt3A_119 : i1
    %and3A = arith.andi %ne3A_120, %ne3A_116 : i1
    %add3A_121 = arith.addi %rem3A, %select_n3A : i32
    %select_n3A_122 = arith.select %and3A, %add3A_121, %rem3A : i32
    %eq3A_123 = arith.constant 0 : i32
    %eq3A_124 = arith.cmpi eq, %select_n3A_122, %eq3A_123 : i32
    %eq3A_125 = arith.constant 0 : i32
    %eq3A_126 = arith.cmpi eq, %arg0, %eq3A_125 : i32
    %convert_element_type3A = arith.extui %eq3A_126 : i1 to i32
    %cond3A = arith.constant 0 : i32
    %cond3A_127 = arith.cmpi ne, %convert_element_type3A, %cond3A : i32
    scf.if %cond3A_127 {
      %swap3A_142 = arith.constant 0 : index
      %swap3A_143 = arith.constant 0 : index
      %swap3A_144 = vector.load %arg8[%swap3A_142, %swap3A_143] : memref<256x2048xf32, #tpu.memory_space<vmem>>, vector<128x2048xf32>
      tpu.vector_store %arg8[%swap3A_142, %swap3A_143], %add3A_20 {strides = array<i32>} : memref<256x2048xf32, #tpu.memory_space<vmem>>, vector<128x2048xf32>,
      %swap3A_145 = arith.constant 128 : index
      %swap3A_146 = arith.constant 0 : index
      %swap3A_147 = vector.load %arg8[%swap3A_145, %swap3A_146] : memref<256x2048xf32, #tpu.memory_space<vmem>>, vector<128x2048xf32>
      tpu.vector_store %arg8[%swap3A_145, %swap3A_146], %add3A_37 {strides = array<i32>} : memref<256x2048xf32, #tpu.memory_space<vmem>>, vector<128x2048xf32>,
    } else {
    }
    %gt3A = arith.constant 0 : i32
    %gt3A_128 = arith.cmpi sgt, %arg0, %gt3A : i32
    %and3A_129 = arith.andi %gt3A_128, %eq3A_124 : i1
    %convert_element_type3A_130 = arith.extui %and3A_129 : i1 to i32
    %cond3A_131 = arith.constant 0 : i32
    %cond3A_132 = arith.cmpi ne, %convert_element_type3A_130, %cond3A_131 : i32
    scf.if %cond3A_132 {
      %get3A_142 = arith.constant 0 : index
      %get3A_143 = arith.constant 0 : index
      %get3A_144 = vector.load %arg8[%get3A_142, %get3A_143] : memref<256x2048xf32, #tpu.memory_space<vmem>>, vector<128x2048xf32>
      %add3A_145 = arith.addf %get3A_144, %add3A_20 : vector<128x2048xf32>
      %swap3A_146 = arith.constant 0 : index
      %swap3A_147 = arith.constant 0 : index
      %swap3A_148 = vector.load %arg8[%swap3A_146, %swap3A_147] : memref<256x2048xf32, #tpu.memory_space<vmem>>, vector<128x2048xf32>
      tpu.vector_store %arg8[%swap3A_146, %swap3A_147], %add3A_145 {strides = array<i32>} : memref<256x2048xf32, #tpu.memory_space<vmem>>, vector<128x2048xf32>,
      %get3A_149 = arith.constant 128 : index
      %get3A_150 = arith.constant 0 : index
      %get3A_151 = vector.load %arg8[%get3A_149, %get3A_150] : memref<256x2048xf32, #tpu.memory_space<vmem>>, vector<128x2048xf32>
      %add3A_152 = arith.addf %get3A_151, %add3A_37 : vector<128x2048xf32>
      %swap3A_153 = arith.constant 128 : index
      %swap3A_154 = arith.constant 0 : index
      %swap3A_155 = vector.load %arg8[%swap3A_153, %swap3A_154] : memref<256x2048xf32, #tpu.memory_space<vmem>>, vector<128x2048xf32>
      tpu.vector_store %arg8[%swap3A_153, %swap3A_154], %add3A_152 {strides = array<i32>} : memref<256x2048xf32, #tpu.memory_space<vmem>>, vector<128x2048xf32>,
    } else {
    }
    %not3A = arith.constant true
    %not3A_133 = arith.xori %eq3A_124, %not3A : i1
    %convert_element_type3A_134 = arith.extui %not3A_133 : i1 to i32
    %cond3A_135 = arith.constant 0 : i32
    %cond3A_136 = arith.cmpi ne, %convert_element_type3A_134, %cond3A_135 : i32
    scf.if %cond3A_136 {
      %get3A_142 = arith.constant 0 : index
      %get3A_143 = arith.constant 0 : index
      %get3A_144 = vector.load %arg8[%get3A_142, %get3A_143] : memref<256x2048xf32, #tpu.memory_space<vmem>>, vector<128x2048xf32>
      %add3A_145 = arith.addf %get3A_144, %add3A_37 : vector<128x2048xf32>
      %swap3A_146 = arith.constant 0 : index
      %swap3A_147 = arith.constant 0 : index
      %swap3A_148 = vector.load %arg8[%swap3A_146, %swap3A_147] : memref<256x2048xf32, #tpu.memory_space<vmem>>, vector<128x2048xf32>
      tpu.vector_store %arg8[%swap3A_146, %swap3A_147], %add3A_145 {strides = array<i32>} : memref<256x2048xf32, #tpu.memory_space<vmem>>, vector<128x2048xf32>,
      %get3A_149 = arith.constant 128 : index
      %get3A_150 = arith.constant 0 : index
      %get3A_151 = vector.load %arg8[%get3A_149, %get3A_150] : memref<256x2048xf32, #tpu.memory_space<vmem>>, vector<128x2048xf32>
      %add3A_152 = arith.addf %get3A_151, %add3A_20 : vector<128x2048xf32>
      %swap3A_153 = arith.constant 128 : index
      %swap3A_154 = arith.constant 0 : index
      %swap3A_155 = vector.load %arg8[%swap3A_153, %swap3A_154] : memref<256x2048xf32, #tpu.memory_space<vmem>>, vector<128x2048xf32>
      tpu.vector_store %arg8[%swap3A_153, %swap3A_154], %add3A_152 {strides = array<i32>} : memref<256x2048xf32, #tpu.memory_space<vmem>>, vector<128x2048xf32>,
    } else {
    }
    %eq3A_137 = arith.constant 13 : i32
    %eq3A_138 = arith.cmpi eq, %arg0, %eq3A_137 : i32
    %convert_element_type3A_139 = arith.extui %eq3A_138 : i1 to i32
    %cond3A_140 = arith.constant 0 : i32
    %cond3A_141 = arith.cmpi ne, %convert_element_type3A_139, %cond3A_140 : i32
    scf.if %cond3A_141 {
      %get3A_142 = arith.constant 0 : index
      %get3A_143 = arith.constant 0 : index
      %get3A_144 = vector.load %arg8[%get3A_142, %get3A_143] : memref<256x2048xf32, #tpu.memory_space<vmem>>, vector<256x2048xf32>
      %mul3A = arith.constant 0.0204081628 : f32
      %mul3A_145 = vector.broadcast %mul3A : f32 to vector<256x2048xf32>
      %mul3A_146 = arith.mulf %get3A_144, %mul3A_145 : vector<256x2048xf32>
      %swap3A_147 = arith.constant 0 : index
      %swap3A_148 = arith.constant 0 : index
      %swap3A_149 = vector.load %arg8[%swap3A_147, %swap3A_148] : memref<256x2048xf32, #tpu.memory_space<vmem>>, vector<256x2048xf32>
      tpu.vector_store %arg8[%swap3A_147, %swap3A_148], %mul3A_146 {strides = array<i32>} : memref<256x2048xf32, #tpu.memory_space<vmem>>, vector<256x2048xf32>,
    } else {
    }
    return
  }
  func.func @transform_0(%arg0: i32) -> (i32, i32, i32) {
    %mul3A = arith.constant 7 : i32
    %mul3A_0 = arith.muli %mul3A, %arg0 : i32
    %add3A = arith.constant 0 : i32
    %add3A_1 = arith.addi %mul3A_0, %add3A : i32
    %c0_i32 = arith.constant 0 : i32
    %c0_i32_2 = arith.constant 0 : i32
    %c0_i32_3 = arith.constant 0 : i32
    return %add3A_1, %c0_i32, %c0_i32_2 : i32, i32, i32
  }
  func.func @transform_1(%arg0: i32) -> (i32, i32, i32) {
    %mul3A = arith.constant 7 : i32
    %mul3A_0 = arith.muli %mul3A, %arg0 : i32
    %add3A = arith.constant 1 : i32
    %add3A_1 = arith.addi %mul3A_0, %add3A : i32
    %c0_i32 = arith.constant 0 : i32
    %c0_i32_2 = arith.constant 0 : i32
    %c0_i32_3 = arith.constant 0 : i32
    return %add3A_1, %c0_i32, %c0_i32_2 : i32, i32, i32
  }
  func.func @transform_2(%arg0: i32) -> (i32, i32, i32) {
    %mul3A = arith.constant 7 : i32
    %mul3A_0 = arith.muli %mul3A, %arg0 : i32
    %add3A = arith.constant 2 : i32
    %add3A_1 = arith.addi %mul3A_0, %add3A : i32
    %c0_i32 = arith.constant 0 : i32
    %c0_i32_2 = arith.constant 0 : i32
    %c0_i32_3 = arith.constant 0 : i32
    return %add3A_1, %c0_i32, %c0_i32_2 : i32, i32, i32
  }
  func.func @transform_3(%arg0: i32) -> (i32, i32, i32) {
    %mul3A = arith.constant 7 : i32
    %mul3A_0 = arith.muli %mul3A, %arg0 : i32
    %add3A = arith.constant 3 : i32
    %add3A_1 = arith.addi %mul3A_0, %add3A : i32
    %c0_i32 = arith.constant 0 : i32
    %c0_i32_2 = arith.constant 0 : i32
    %c0_i32_3 = arith.constant 0 : i32
    return %add3A_1, %c0_i32, %c0_i32_2 : i32, i32, i32
  }
  func.func @transform_4(%arg0: i32) -> (i32, i32, i32) {
    %mul3A = arith.constant 7 : i32
    %mul3A_0 = arith.muli %mul3A, %arg0 : i32
    %add3A = arith.constant 4 : i32
    %add3A_1 = arith.addi %mul3A_0, %add3A : i32
    %c0_i32 = arith.constant 0 : i32
    %c0_i32_2 = arith.constant 0 : i32
    %c0_i32_3 = arith.constant 0 : i32
    return %add3A_1, %c0_i32, %c0_i32_2 : i32, i32, i32
  }
  func.func @transform_5(%arg0: i32) -> (i32, i32, i32) {
    %mul3A = arith.constant 7 : i32
    %mul3A_0 = arith.muli %mul3A, %arg0 : i32
    %add3A = arith.constant 5 : i32
    %add3A_1 = arith.addi %mul3A_0, %add3A : i32
    %c0_i32 = arith.constant 0 : i32
    %c0_i32_2 = arith.constant 0 : i32
    %c0_i32_3 = arith.constant 0 : i32
    return %add3A_1, %c0_i32, %c0_i32_2 : i32, i32, i32
  }
  func.func @transform_6(%arg0: i32) -> (i32, i32, i32) {
    %mul3A = arith.constant 7 : i32
    %mul3A_0 = arith.muli %mul3A, %arg0 : i32
    %add3A = arith.constant 6 : i32
    %add3A_1 = arith.addi %mul3A_0, %add3A : i32
    %c0_i32 = arith.constant 0 : i32
    %c0_i32_2 = arith.constant 0 : i32
    %c0_i32_3 = arith.constant 0 : i32
    return %add3A_1, %c0_i32, %c0_i32_2 : i32, i32, i32
  }
  func.func @transform_7(%arg0: i32) -> (i32, i32) {
    %c0_i32 = arith.constant 0 : i32
    %c0_i32_0 = arith.constant 0 : i32
    %c0_i32_1 = arith.constant 0 : i32
    return %c0_i32, %c0_i32_0 : i32, i32
  }
  func.func @transform_8(%arg0: i32) -> (i32, i32, i32) {
    %c0_i32 = arith.constant 0 : i32
    %c0_i32_0 = arith.constant 0 : i32
    %c0_i32_1 = arith.constant 0 : i32
    return %arg0, %c0_i32, %c0_i32_0 : i32, i32, i32
  }
}

</mosaic_0001>

<sc_bundles>
// kernel: _run.6.cloned.1.call-start
scs
__scs_entry_jumppad:
0x0: {  	(pc) =	sbr.rel $0x88, $3  }
0x1: {  	(tag) =	ssettag $0x0;
	lr =	simm.s32 $0x1  }
0x2: {  	[smem:$0x3F9E] =	sst lr;
	_ =	strace $0xD0000000  }
0x3: {  	_ = 	snop  }
0x4: {  	_ = 	snop  }
0x5: {  	_ = 	snop  }
0x6: {  	_ = 	snop  }
0x7: {  	_ = 	snop  }
__scs_overlays_trampoline_lowered:
0x8: {  	[smem:$0x3FAD] =	sst s0  }
0x9: {  	[smem:$0x3FAE] =	sst s1  }
0xa: {  	[smem:$0x3FAF] =	sst s2  }
0xb: {  	[smem:$0x3FB0] =	sst s3  }
0xc: {  	[smem:$0x3FB1] =	sst s4  }
0xd: {  	[smem:$0x3FB2] =	sst s5  }
0xe: {  	[smem:$0x3FB3] =	sst s6  }
0xf: {  	[smem:$0x3FB4] =	sst s7  }
0x10: {  	[smem:$0x3FB5] =	sst s8  }
0x11: {  	[smem:$0x3FB6] =	sst s9;
	s0 =	simm.s32 @!p0 $0x0  }
0x12: {  	s1 =	sld [smem:$0x3F9C];
	s0 =	simm.s32 @p0 $0x1  }
0x13: {  	[smem:$0x3FB7] =	sst s0;
	s0 =	simm.s32 @!p1 $0x0  }
0x14: {  	s2 =	sld [smem:$0x3F9B];
	s0 =	simm.s32 @p1 $0x1  }
0x15: {  	[smem:$0x3FB8] =	sst s0;
	s0 =	simm.s32 @!p2 $0x0  }
0x16: {  	s3 =	sld [smem:$0x3FDB];
	s0 =	simm.s32 @p2 $0x1  }
0x17: {  	s4 =	simm.s32 $0x1BF5;
	[smem:$0x3FBA] =	sst s0  }
0x18: {  	s0 =	sld [smem:$0x3F9D];
	_ =	swait.ge [sflag:s4], $0x0  }
0x19: {  	s7 =	sld [smem:$0x3F9E]  }
0x1a: {  	s8 =	sadd.s32 $0xFFFFE003, lr  }
0x1b: {  	s9 =	sadd.s32 $0xFFFFFEF7, lr;
	s5 =	simm.s32 $0xFFFFFFFF;
	p2 =	slt.u32 s8, $0xFFFFF086  }
0x1c: {  	p1 =	slt.u32 s9, $0xF7A;
	s5 =	simm.s32 @!p2 $0x0  }
0x1d: {  	s5 =	simm.s32 @p1 $0x1;
	p0 =	seq.s32 s7, s2  }
0x1e: {  	s7 =	smul.u32 @!p0 $0xF7A, s2;
	p2 =	seq.s32 @!p0 s5, $0x0  }
0x1f: {  	s9 =	smul.u32 $0xF7A, s1;
	s8 =	simm.s32 @!p0 $0x1BF5;
	p2 =	por !p2, p0  }
0x20: {  	[sflag:s8] =	ssyncset.s32 @!p0 $0xFFFFF086;
	s6 =	sadd.s32 @!p0 s3, s7;
	s7 =	simm.s32 @!p0 $0x108  }
0x21: {  	s3 =	sadd.s32 s3, s9;
	s6 =	sadd.s32 @!p0 $0x88, s6;
	s7 =	simm.s32 @p2 $0x1082  }
0x22: {  	[simem:s7], [sflag:s8] =	dma.local @!p0 [hbm:s6], $0xF7A  }
0x23: {  	s9 =	sor.u32 $0xD0000000, s2;
	s6 =	simm.s32 $0x108;
	_ =	swait.ge @!p0 [sflag:s8], $0x0  }
0x24: {  	s3 =	sadd.s32 $0x88, s3;
	s6 =	simm.s32 @!p1 $0x1082;
	[sflag:s4] =	ssyncset.s32 $0xFFFFF086  }
0x25: {  	[simem:s6], [sflag:s4] =	dma.local [hbm:s3], $0xF7A  }
0x26: {  	[smem:$0x3F9E] =	sst s1;
	(tag) =	ssettag s2;
	_ =	strace s9  }
0x27: {  	s1 =	sld [smem:$0x3FAE]  }
0x28: {  	s2 =	sld [smem:$0x3FAF]  }
0x29: {  	s4 =	sld [smem:$0x3FB1]  }
0x2a: {  	p0 =	seq.s32 s5, $0x0;
	s5 =	sld [smem:$0x3FB2]  }
0x2b: {  	s6 =	sld [smem:$0x3FB3]  }
0x2c: {  	s7 =	sld [smem:$0x3FB4]  }
0x2d: {  	s3 =	simm.s32 $0x108;
	s8 =	sld [smem:$0x3FB5]  }
0x2e: {  	s3 =	simm.s32 @!p0 $0x1082;
	s9 =	sld [smem:$0x3FB6]  }
0x2f: {  	lr =	sadd.s32 s0, s3;
	s0 =	sld [smem:$0x3FAD]  }
0x30: {  	s3 =	sld [smem:$0x3FB0]  }
0x31: {  	[smem:$0x3FB9] =	sst s10  }
0x32: {  	s10 =	sld [smem:$0x3FB7];
	_ =	sdelay $0x3  }
0x33: {  	p0 =	seq.s32 s10, $0x1;
	s10 =	sld [smem:$0x3FB9];
	_ =	sdelay $0x3  }
0x34: {  	[smem:$0x3FB9] =	sst s10  }
0x35: {  	s10 =	sld [smem:$0x3FB8];
	_ =	sdelay $0x3  }
0x36: {  	p1 =	seq.s32 s10, $0x1;
	s10 =	sld [smem:$0x3FB9];
	_ =	sdelay $0x3  }
0x37: {  	[smem:$0x3FB9] =	sst s10  }
0x38: {  	s10 =	sld [smem:$0x3FBA]  }
0x39: {  	_ = 	snop;
	(pc) =	sbr.ind lr, $3  }
0x3a: {  	_ = 	snop  }
0x3b: {  	_ = 	snop  }
0x3c: {  	p2 =	seq.s32 s10, $0x1;
	s10 =	sld [smem:$0x3FB9]  }
0x3d: {  	_ =	shalt  }
0x3e: {  	_ =	shalt  }
0x3f: {  	_ =	shalt  }
0x40: {  	_ =	shalt  }
0x41: {  	_ =	shalt  }
0x42: {  	_ =	shalt  }
0x43: {  	_ =	shalt  }
0x44: {  	_ =	shalt  }
0x45: {  	_ =	shalt  }
0x46: {  	_ =	shalt  }
0x47: {  	_ =	shalt  }
0x48: {  	_ =	shalt  }
0x49: {  	_ =	shalt  }
0x4a: {  	_ =	shalt  }
0x4b: {  	_ =	shalt  }
0x4c: {  	_ =	shalt  }
0x4d: {  	_ =	shalt  }
0x4e: {  	_ =	shalt  }
0x4f: {  	_ =	shalt  }
0x50: {  	_ =	shalt  }
0x51: {  	_ =	shalt  }
0x52: {  	_ =	shalt  }
0x53: {  	_ =	shalt  }
0x54: {  	_ =	shalt  }
0x55: {  	_ =	shalt  }
0x56: {  	_ =	shalt  }
0x57: {  	_ =	shalt  }
0x58: {  	_ =	shalt  }
0x59: {  	_ =	shalt  }
0x5a: {  	_ =	shalt  }
0x5b: {  	_ =	shalt  }
0x5c: {  	_ =	shalt  }
0x5d: {  	_ =	shalt  }
0x5e: {  	_ =	shalt  }
0x5f: {  	_ =	shalt  }
0x60: {  	_ =	shalt  }
0x61: {  	_ =	shalt  }
0x62: {  	_ =	shalt  }
0x63: {  	_ =	shalt  }
0x64: {  	_ =	shalt  }
0x65: {  	_ =	shalt  }
0x66: {  	_ =	shalt  }
0x67: {  	_ =	shalt  }
0x68: {  	_ =	shalt  }
0x69: {  	_ =	shalt  }
0x6a: {  	_ =	shalt  }
0x6b: {  	_ =	shalt  }
0x6c: {  	_ =	shalt  }
0x6d: {  	_ =	shalt  }
0x6e: {  	_ =	shalt  }
0x6f: {  	_ =	shalt  }
0x70: {  	_ =	shalt  }
0x71: {  	_ =	shalt  }
0x72: {  	_ =	shalt  }
0x73: {  	_ =	shalt  }
0x74: {  	_ =	shalt  }
0x75: {  	_ =	shalt  }
0x76: {  	_ =	shalt  }
0x77: {  	_ =	shalt  }
0x78: {  	_ =	shalt  }
0x79: {  	_ =	shalt  }
0x7a: {  	_ =	shalt  }
0x7b: {  	_ =	shalt  }
0x7c: {  	_ =	shalt  }
0x7d: {  	_ =	shalt  }
0x7e: {  	_ =	shalt  }
0x7f: {  	_ =	shalt  }
0x80: {  	_ =	shalt  }
0x81: {  	_ =	shalt  }
0x82: {  	_ =	shalt  }
0x83: {  	_ =	shalt  }
0x84: {  	_ =	shalt  }
0x85: {  	_ =	shalt  }
0x86: {  	_ =	shalt  }
0x87: {  	_ =	shalt  }
.Lfunc_end0:
.L_simem_size_0:
called_computation_lowered:
.L_overlay_start_0:
0x88: {  	s2 =	sld [smem:$0x3FD9]  }
0x89: {  	s3 =	sld [smem:$0x3FFE];
	_ =	sdelay $0x1  }
0x8a: {  	s1 =	srdreg.scid  }
0x8b: {  	s0 =	sand.u32 $0x1, s1  }
0x8c: {  	s26 =	sshll.u32 s0, $0xA;
	s2 =	sadd.s32 s3, s2  }
0x8d: {  	s2 =	sadd.s32 s2, s26  }
0x8e: {  	[smem:$0x3FC5] =	sst s2  }
0x8f: {  	_ = 	snop  }
0x90: {  	s2 =	sld [smem:$0x3FD0];
	_ =	sdelay $0x2  }
0x91: {  	s28 =	simm.s32 $0xA;
	s4 =	simm.s32 $0x510  }
0x92: {  	[smem:s4], [sflag:s28] =	dma.local [hbm:s2], $0x1  }
0x93: {  	_ =	swait.eq [sflag:s28], $0x1  }
0x94: {  	[sflag:s28] =	ssyncset.done $0x0  }
0x95: {  	s2 =	sld [smem:$0x510];
	[sflag:s28] =	ssyncadd.s32 $0xFFFFFFFF  }
0x96: {  	s4 =	sld [smem:$0x511];
	(tm) =	ssettm $0x1  }
0x97: {  	s29 =	sld [smem:$0x3FFB];
	_ =	sdelay $0x3  }
0x98: {  	_ =	strace s29  }
0x99: {  	s3 =	sld [smem:$0x3FFC];
	_ =	sdelay $0x3  }
0x9a: {  	_ =	strace s3  }
0x9b: {  	s3 =	sld [smem:$0x3FFD];
	_ =	sdelay $0x3  }
0x9c: {  	_ =	strace s3  }
0x9d: {  	s30 =	simm.s32 $0x1B8B;
	_ =	strace $0x8FFFFFFF  }
0x9e: {  	p0 =	seq.s32 s0, $0x1;
	_ =	swait.ge [sflag:s30], $0x1  }
.Ltmp0:
0x9f: {  	[sflag:s30] =	ssyncset.done $0x0;
	(pc) =	sbr.rel @p0 .LBB1_6-.Ltmp0, $3  }
0xa0: {  	s31 =	simm.s32 $0x1B8E;
	[sflag:s30] =	ssyncadd.s32 $0xFFFFFFFF  }
0xa1: {  	[smem:$0x3FD2] =	sst s31  }
0xa2: {  	_ =	strace $0x80000046  }
0xa3: {  	s3 =	simm.s32 $0x9;
	s5 =	simm.s32 $0x10  }
0xa4: {  	[smem:s5], [sflag:s3] =	dma.local [hbm:s4], $0x20  }
0xa5: {  	_ =	swait.ge [sflag:s3], $0x20  }
0xa6: {  	[sflag:s3] =	ssyncset.done $0x0  }
0xa7: {  	s4 =	simm.s32 $0x0;
	s5 =	simm.s32 $0x0;
	[sflag:s3] =	ssyncadd.s32 $0xFFFFFFE0  }
.LBB1_2:
0xa8: {  	p0 =	sne.s32 s5, $0xF9C  }
.Ltmp1:
0xa9: {  	_ = 	snop;
	(pc) =	sbr.rel @p0 .LBB1_2-.Ltmp1, $3  }
0xaa: {  	_ = 	snop  }
0xab: {  	s6 =	sshra.s32 s5, $0x2  }
0xac: {  	s5 =	sadd.s32 $0x4, s5;
	[smem:s6+$0x110] =	sst s4  }
0xad: {  	s5 =	simm.s32 $0x0;
	s4 =	simm.s32 $0x4  }
.LBB1_4:
0xae: {  	p0 =	sne.s32 s4, $0x3FC;
	s5 =	sld [smem:s5+$0x10];
	_ =	sdelay $0x3  }
0xaf: {  	s6 =	sld [smem:s5+$0x110];
	_ =	sdelay $0x2  }
.Ltmp2:
0xb0: {  	(pc) =	sbr.rel @p0 .LBB1_4-.Ltmp2, $3  }
0xb1: {  	s6 =	sadd.f32 $1.000000000e+00, s6  }
0xb2: {  	s7 =	sadd.s32 $0x110, s5  }
0xb3: {  	s5 =	sshra.s32 s4, $0x2;
	s4 =	sadd.s32 $0x4, s4;
	[smem:s7] =	sst s6  }
0xb4: {  	s4 =	sld [smem:s5+$0x10];
	_ =	sdelay $0x3  }
0xb5: {  	s5 =	sld [smem:s4+$0x110];
	_ =	sdelay $0x3  }
0xb6: {  	s5 =	sadd.f32 $1.000000000e+00, s5  }
0xb7: {  	s4 =	sadd.s32 $0x110, s4  }
0xb8: {  	s30 =	simm.s32 $0x110;
	s31 =	simm.s32 $0x9;
	[smem:s4] =	sst s5  }
0xb9: {  	[hbm:s2], [sflag:s3] =	dma.local [smem:s30], $0x80  }
0xba: {  	_ =	swait.ge [sflag:s31], $0x80  }
0xbb: {  	[sflag:s31] =	ssyncset.done $0x0  }
0xbc: {  	[sflag:s31] =	ssyncadd.s32 $0xFFFFFF80  }
.LBB1_6:
0xbd: {  	_ =	strace $0x90000046  }
0xbe: {  	_ =	sfence  }
0xbf: {  	s2 =	sld [smem:$0x0];
	_ =	sdelay $0x2  }
0xc0: {  	s3 =	sshll.u32 s1, $0xD;
	s31 =	sshrl.u32 s1, $0x2  }
0xc1: {  	s3 =	sand.u32 $0x4000, s3;
	s1 =	sadd.s32 s31, s2  }
0xc2: {  	s0 =	sor.u32 s3, s0;
	s1 =	sshll.u32 s1, $0x11  }
0xc3: {  	s0 =	sor.u32 s1, s0  }
0xc4: {  	s0 =	sadd.s32 $0x8F2B, s0;
	(pc) =	sbr.abs _section_cstart, $3  }
0xc5: {  	[sflag:s0] =	ssyncadd.remote.s32 $0x1  }
0xc6: {  	_ =	strace $0x9FFFFFFF  }
0xc7: {  	(tm) =	ssettm $0x7FFFFFFF  }

</sc_bundles>
